<compile_context>
chip_gen: v7x
topology: tpu7x:2x2x1
jax: 0.10.2.dev20260603
libtpu: 0.0.44.dev20260713+nightly
codegen_flags: <defaults>
</compile_context>

<pallas_src>
import functools

import jax
import jax.numpy as jnp
from jax import lax
from jax.experimental import pallas as pl
from jax.experimental.pallas import tpu as pltpu
from jax.experimental.pallas import tpu_sc as plsc

BAG = 64
CLS = 128
N = 16384
NC = 2
NS = 16
NW = NC * NS

RSC = 1024
RWS = RSC // NW
NTC = N - RSC


def _sc_body(yt_hbm, yp_hbm, sums_hbm, idx_v, rows_v, zbuf_v, acc_sh):
    c = lax.axis_index("c")
    s = lax.axis_index("s")
    wid = s * NC + c

    pltpu.sync_copy(yt_hbm.at[pl.ds(NTC + wid * RWS, RWS)], idx_v)
    pltpu.sync_copy(yp_hbm.at[pl.ds(NTC + wid * RWS, RWS)], rows_v)

    z16 = jnp.zeros((16,), jnp.float32)
    zrow = BAG // NS
    for i in range(zrow):
        for j in range(CLS // 16):
            zbuf_v[i, pl.ds(j * 16, 16)] = z16
    pltpu.sync_copy(zbuf_v, acc_sh.at[pl.ds(s * zrow, zrow)])

    plsc.subcore_barrier()

    pltpu.sync_copy(rows_v, acc_sh.at[idx_v], add=True)

    plsc.subcore_barrier()

    @pl.when(s == 0)
    def _():
        pltpu.sync_copy(acc_sh, sums_hbm.at[c])


def _sc_call(y_true, y_pred):
    call = functools.partial(
        pl.kernel,
        out_type=jax.ShapeDtypeStruct((NC, BAG, CLS), jnp.float32),
        mesh=plsc.VectorSubcoreMesh(core_axis_name="c", subcore_axis_name="s",
                                    num_cores=NC, num_subcores=NS),
        scratch_types=[
            pltpu.VMEM((RWS,), jnp.int32),
            pltpu.VMEM((RWS, CLS), jnp.float32),
            pltpu.VMEM((BAG // NS, CLS), jnp.float32),
            pltpu.VMEM_SHARED((BAG, CLS), jnp.float32),
        ],
        compiler_params=pltpu.CompilerParams(needs_layout_passes=False),
    )(_sc_body)
    return call(y_true, y_pred)


def _tc_body(yt_ref, yp_ref, sums_ref, cnt_ref):
    ids = yt_ref[...]
    iota = jax.lax.broadcasted_iota(jnp.int32, (BAG, 1), 0)
    oh_all = (iota == ids).astype(jnp.float32)
    cnt_ref[...] = jnp.sum(oh_all, axis=1, keepdims=True)
    sums_ref[...] = jax.lax.dot_general(
        oh_all[:, :NTC], yp_ref[...], (((1,), (0,)), ((), ())),
        preferred_element_type=jnp.float32,
    )


def _ep_body(ts_ref, ss_ref, cnt_ref, th_ref, out_ref):
    sums = ts_ref[...] + ss_ref[0] + ss_ref[1]
    means = sums / cnt_ref[...]
    theta_c = jnp.clip(th_ref[...], 1e-07, 1.0 - 1e-07)
    m = jnp.max(means, axis=-1, keepdims=True)
    e = jnp.exp(means - m)
    ssum = jnp.sum(e, axis=-1, keepdims=True)
    sm = e / ssum
    loss = -theta_c * jnp.log(sm + 1e-07)
    out_ref[0, 0] = jnp.sum(loss)


def kernel(y_true, y_pred, theta):
    yt = y_true.astype(jnp.int32)

    sc_sums = _sc_call(yt, y_pred)

    tc_sums, counts = pl.pallas_call(
        _tc_body,
        grid=(1,),
        out_shape=[
            jax.ShapeDtypeStruct((BAG, CLS), jnp.float32),
            jax.ShapeDtypeStruct((BAG, 1), jnp.float32),
        ],
        in_specs=[
            pl.BlockSpec((1, N), lambda i: (0, 0)),
            pl.BlockSpec((NTC, CLS), lambda i: (0, 0)),
        ],
        out_specs=[
            pl.BlockSpec((BAG, CLS), lambda i: (0, 0)),
            pl.BlockSpec((BAG, 1), lambda i: (0, 0)),
        ],
    )(yt.reshape(1, N), y_pred)

    out = pl.pallas_call(
        _ep_body,
        out_shape=jax.ShapeDtypeStruct((1, 1), jnp.float32),
        in_specs=[
            pl.BlockSpec(memory_space=pltpu.VMEM),
            pl.BlockSpec(memory_space=pltpu.VMEM),
            pl.BlockSpec(memory_space=pltpu.VMEM),
            pl.BlockSpec(memory_space=pltpu.VMEM),
        ],
        out_specs=pl.BlockSpec(memory_space=pltpu.SMEM),
    )(tc_sums, sc_sums, counts, theta.reshape(BAG, 1))
    return out[0, 0]

# --- scband reference (transcript-rebuilt; emitter-appended) ---
"""Pipeline reference for scband-prop-31275951849585 (READ-ONLY COPY).

The authoritative reference and input builder live on the scoring server;
editing this copy changes nothing except your own understanding.
"""

import jax, jax.numpy as jnp
import numpy as np

BAG = 64
CLS = 128
N = 16384


def setup_inputs(seed: int = 0) -> dict:
    key = jax.random.key(seed)
    k1, k2 = jax.random.split(key)
    y_true = jax.random.randint(k1, (N,), 0, BAG)
    y_pred = jax.random.normal(k2, (N, CLS), dtype=jnp.float32)
    theta = jnp.full((BAG,), 1.0 / CLS, dtype=jnp.float32)
    return {"y_true": y_true, "y_pred": y_pred, "theta": theta}


def reference(y_true, y_pred, theta):
    # one-hot bag mask + per-bag mean prediction == segment mean over bag ids
    ones = jnp.ones((y_pred.shape[0],), dtype=jnp.float32)
    counts = jax.ops.segment_sum(ones, y_true, num_segments=BAG)
    sums = jax.ops.segment_sum(y_pred, y_true, num_segments=BAG)
    means = sums / counts[:, None]  # [BAG, CLS], mean prediction per bag
    # CE_loss applied per bag: true_prop is theta[i] (scalar), clamped
    theta_c = jnp.clip(theta, 1e-07, 1.0 - 1e-07)  # [BAG]
    sm = jax.nn.softmax(means, axis=-1)  # F.softmax over last dim of 1D vector
    loss = -theta_c[:, None] * jnp.log(sm + 1e-07)  # [BAG, CLS]
    # torch: sum(loss, dim=-1).mean() on a per-bag 1D vector -> scalar per bag
    P_loss = jnp.sum(loss, axis=-1)  # [BAG]
    ProportionLoss = jnp.sum(P_loss)
    return ProportionLoss

if __name__ == "__main__":
    import jax
    _d = setup_inputs()
    print(jax.jit(kernel)(*tuple(_d.values())))

</pallas_src>

<mosaic_0001>
#map = affine_map<(d0, d1) -> (0)>
#map1 = affine_map<(d0, d1) -> (0, 0)>
#map2 = affine_map<(d0, d1) -> (0, 0, 0)>
module attributes {stable_mosaic.version = 14 : i64} {
  func.func @_sc_body(%arg0: i32, %arg1: i32, %arg2: memref<16384xi32, #tpu.memory_space<hbm>>, %arg3: memref<16384x128xf32, #tpu.memory_space<hbm>>, %arg4: memref<2x64x128xf32, #tpu.memory_space<hbm>>, %arg5: memref<32xi32, #tpu.memory_space<vmem>>, %arg6: memref<32x128xf32, #tpu.memory_space<vmem>>, %arg7: memref<4x128xf32, #tpu.memory_space<vmem>>, %arg8: memref<64x128xf32, #tpu.memory_space<vmem_shared>>) attributes {dimension_semantics = [#tpu.dimension_semantics<core_parallel>, #tpu.dimension_semantics<subcore_parallel>], iteration_bounds = array<i64: 2, 16>, scalar_prefetch = 0 : i64, scratch_operands = 4 : i64, tpu.core_type = #tpu.core_type<sc_vector_subcore>, window_params = [{transform_indices = #map}, {transform_indices = #map1}, {transform_indices = #map2}]} {
    %mul3A = arith.constant 2 : i32
    %mul3A_0 = arith.muli %arg1, %mul3A : i32
    %add3A = arith.addi %mul3A_0, %arg0 : i32
    %mul3A_1 = arith.constant 32 : i32
    %mul3A_2 = arith.muli %add3A, %mul3A_1 : i32
    %add3A_3 = arith.constant 15360 : i32
    %add3A_4 = arith.addi %add3A_3, %mul3A_2 : i32
    "tpu.region"() ({
      %run_scoped3A = tpu.sem_alloc : memref<!tpu.dma_semaphore, #tpu.memory_space<semaphore_mem>>
      %dma_start3A = tpu.memref_slice %arg2[%add3A_4] : memref<16384xi32, #tpu.memory_space<hbm>> -> memref<32xi32, #tpu.memory_space<hbm>>
      %dma_start3A_142 = tpu.memref_slice %arg2[%add3A_4] : memref<16384xi32, #tpu.memory_space<hbm>> -> memref<32xi32, #tpu.memory_space<hbm>>
      tpu.enqueue_dma source(%dma_start3A_142 : memref<32xi32, #tpu.memory_space<hbm>>) target(%arg5 : memref<32xi32, #tpu.memory_space<vmem>>) target_semaphore(%run_scoped3A : memref<!tpu.dma_semaphore, #tpu.memory_space<semaphore_mem>>)
      %dma_wait3A = tpu.memref_slice %arg2[%add3A_4] : memref<16384xi32, #tpu.memory_space<hbm>> -> memref<32xi32, #tpu.memory_space<hbm>>
      %dma_wait3A_143 = tpu.memref_slice %arg2[%add3A_4] : memref<16384xi32, #tpu.memory_space<hbm>> -> memref<32xi32, #tpu.memory_space<hbm>>
      tpu.wait_dma2 semaphore(%run_scoped3A : memref<!tpu.dma_semaphore, #tpu.memory_space<semaphore_mem>>) src(%dma_wait3A_143 : memref<32xi32, #tpu.memory_space<hbm>>) dst(%arg5 : memref<32xi32, #tpu.memory_space<vmem>>)
      tpu.yield
    }) : () -> ()
    %mul3A_5 = arith.constant 32 : i32
    %mul3A_6 = arith.muli %add3A, %mul3A_5 : i32
    %add3A_7 = arith.constant 15360 : i32
    %add3A_8 = arith.addi %add3A_7, %mul3A_6 : i32
    "tpu.region"() ({
      %run_scoped3A = tpu.sem_alloc : memref<!tpu.dma_semaphore, #tpu.memory_space<semaphore_mem>>
      %dma_start3A = arith.constant 0 : i32
      %dma_start3A_142 = tpu.memref_slice %arg3[%add3A_8, %dma_start3A] : memref<16384x128xf32, #tpu.memory_space<hbm>> -> memref<32x128xf32, #tpu.memory_space<hbm>>
      %dma_start3A_143 = arith.constant 0 : i32
      %dma_start3A_144 = tpu.memref_slice %arg3[%add3A_8, %dma_start3A_143] : memref<16384x128xf32, #tpu.memory_space<hbm>> -> memref<32x128xf32, #tpu.memory_space<hbm>>
      tpu.enqueue_dma source(%dma_start3A_144 : memref<32x128xf32, #tpu.memory_space<hbm>>) target(%arg6 : memref<32x128xf32, #tpu.memory_space<vmem>>) target_semaphore(%run_scoped3A : memref<!tpu.dma_semaphore, #tpu.memory_space<semaphore_mem>>)
      %dma_wait3A = arith.constant 0 : i32
      %dma_wait3A_145 = tpu.memref_slice %arg3[%add3A_8, %dma_wait3A] : memref<16384x128xf32, #tpu.memory_space<hbm>> -> memref<32x128xf32, #tpu.memory_space<hbm>>
      %dma_wait3A_146 = arith.constant 0 : i32
      %dma_wait3A_147 = tpu.memref_slice %arg3[%add3A_8, %dma_wait3A_146] : memref<16384x128xf32, #tpu.memory_space<hbm>> -> memref<32x128xf32, #tpu.memory_space<hbm>>
      tpu.wait_dma2 semaphore(%run_scoped3A : memref<!tpu.dma_semaphore, #tpu.memory_space<semaphore_mem>>) src(%dma_wait3A_147 : memref<32x128xf32, #tpu.memory_space<hbm>>) dst(%arg6 : memref<32x128xf32, #tpu.memory_space<vmem>>)
      tpu.yield
    }) : () -> ()
    %broadcast_in_dim3A = arith.constant 0.000000e+00 : f32
    %broadcast_in_dim3A_9 = vector.broadcast %broadcast_in_dim3A : f32 to vector<16xf32>
    %swap3A = arith.constant 0 : i32
    %swap3A_10 = arith.index_cast %swap3A : i32 to index
    %swap3A_11 = arith.constant 0 : index
    %swap3A_12 = tpu.vector_load %arg7[%swap3A_10, %swap3A_11] {strides = array<i32>} : memref<4x128xf32, #tpu.memory_space<vmem>>, vector<16xf32>,
    tpu.vector_store %arg7[%swap3A_10, %swap3A_11], %broadcast_in_dim3A_9 {strides = array<i32>} : memref<4x128xf32, #tpu.memory_space<vmem>>, vector<16xf32>,
    %swap3A_13 = arith.constant 0 : i32
    %swap3A_14 = arith.index_cast %swap3A_13 : i32 to index
    %swap3A_15 = arith.constant 16 : index
    %swap3A_16 = tpu.vector_load %arg7[%swap3A_14, %swap3A_15] {strides = array<i32>} : memref<4x128xf32, #tpu.memory_space<vmem>>, vector<16xf32>,
    tpu.vector_store %arg7[%swap3A_14, %swap3A_15], %broadcast_in_dim3A_9 {strides = array<i32>} : memref<4x128xf32, #tpu.memory_space<vmem>>, vector<16xf32>,
    %swap3A_17 = arith.constant 0 : i32
    %swap3A_18 = arith.index_cast %swap3A_17 : i32 to index
    %swap3A_19 = arith.constant 32 : index
    %swap3A_20 = tpu.vector_load %arg7[%swap3A_18, %swap3A_19] {strides = array<i32>} : memref<4x128xf32, #tpu.memory_space<vmem>>, vector<16xf32>,
    tpu.vector_store %arg7[%swap3A_18, %swap3A_19], %broadcast_in_dim3A_9 {strides = array<i32>} : memref<4x128xf32, #tpu.memory_space<vmem>>, vector<16xf32>,
    %swap3A_21 = arith.constant 0 : i32
    %swap3A_22 = arith.index_cast %swap3A_21 : i32 to index
    %swap3A_23 = arith.constant 48 : index
    %swap3A_24 = tpu.vector_load %arg7[%swap3A_22, %swap3A_23] {strides = array<i32>} : memref<4x128xf32, #tpu.memory_space<vmem>>, vector<16xf32>,
    tpu.vector_store %arg7[%swap3A_22, %swap3A_23], %broadcast_in_dim3A_9 {strides = array<i32>} : memref<4x128xf32, #tpu.memory_space<vmem>>, vector<16xf32>,
    %swap3A_25 = arith.constant 0 : i32
    %swap3A_26 = arith.index_cast %swap3A_25 : i32 to index
    %swap3A_27 = arith.constant 64 : index
    %swap3A_28 = tpu.vector_load %arg7[%swap3A_26, %swap3A_27] {strides = array<i32>} : memref<4x128xf32, #tpu.memory_space<vmem>>, vector<16xf32>,
    tpu.vector_store %arg7[%swap3A_26, %swap3A_27], %broadcast_in_dim3A_9 {strides = array<i32>} : memref<4x128xf32, #tpu.memory_space<vmem>>, vector<16xf32>,
    %swap3A_29 = arith.constant 0 : i32
    %swap3A_30 = arith.index_cast %swap3A_29 : i32 to index
    %swap3A_31 = arith.constant 80 : index
    %swap3A_32 = tpu.vector_load %arg7[%swap3A_30, %swap3A_31] {strides = array<i32>} : memref<4x128xf32, #tpu.memory_space<vmem>>, vector<16xf32>,
    tpu.vector_store %arg7[%swap3A_30, %swap3A_31], %broadcast_in_dim3A_9 {strides = array<i32>} : memref<4x128xf32, #tpu.memory_space<vmem>>, vector<16xf32>,
    %swap3A_33 = arith.constant 0 : i32
    %swap3A_34 = arith.index_cast %swap3A_33 : i32 to index
    %swap3A_35 = arith.constant 96 : index
    %swap3A_36 = tpu.vector_load %arg7[%swap3A_34, %swap3A_35] {strides = array<i32>} : memref<4x128xf32, #tpu.memory_space<vmem>>, vector<16xf32>,
    tpu.vector_store %arg7[%swap3A_34, %swap3A_35], %broadcast_in_dim3A_9 {strides = array<i32>} : memref<4x128xf32, #tpu.memory_space<vmem>>, vector<16xf32>,
    %swap3A_37 = arith.constant 0 : i32
    %swap3A_38 = arith.index_cast %swap3A_37 : i32 to index
    %swap3A_39 = arith.constant 112 : index
    %swap3A_40 = tpu.vector_load %arg7[%swap3A_38, %swap3A_39] {strides = array<i32>} : memref<4x128xf32, #tpu.memory_space<vmem>>, vector<16xf32>,
    tpu.vector_store %arg7[%swap3A_38, %swap3A_39], %broadcast_in_dim3A_9 {strides = array<i32>} : memref<4x128xf32, #tpu.memory_space<vmem>>, vector<16xf32>,
    %swap3A_41 = arith.constant 1 : i32
    %swap3A_42 = arith.index_cast %swap3A_41 : i32 to index
    %swap3A_43 = arith.constant 0 : index
    %swap3A_44 = tpu.vector_load %arg7[%swap3A_42, %swap3A_43] {strides = array<i32>} : memref<4x128xf32, #tpu.memory_space<vmem>>, vector<16xf32>,
    tpu.vector_store %arg7[%swap3A_42, %swap3A_43], %broadcast_in_dim3A_9 {strides = array<i32>} : memref<4x128xf32, #tpu.memory_space<vmem>>, vector<16xf32>,
    %swap3A_45 = arith.constant 1 : i32
    %swap3A_46 = arith.index_cast %swap3A_45 : i32 to index
    %swap3A_47 = arith.constant 16 : index
    %swap3A_48 = tpu.vector_load %arg7[%swap3A_46, %swap3A_47] {strides = array<i32>} : memref<4x128xf32, #tpu.memory_space<vmem>>, vector<16xf32>,
    tpu.vector_store %arg7[%swap3A_46, %swap3A_47], %broadcast_in_dim3A_9 {strides = array<i32>} : memref<4x128xf32, #tpu.memory_space<vmem>>, vector<16xf32>,
    %swap3A_49 = arith.constant 1 : i32
    %swap3A_50 = arith.index_cast %swap3A_49 : i32 to index
    %swap3A_51 = arith.constant 32 : index
    %swap3A_52 = tpu.vector_load %arg7[%swap3A_50, %swap3A_51] {strides = array<i32>} : memref<4x128xf32, #tpu.memory_space<vmem>>, vector<16xf32>,
    tpu.vector_store %arg7[%swap3A_50, %swap3A_51], %broadcast_in_dim3A_9 {strides = array<i32>} : memref<4x128xf32, #tpu.memory_space<vmem>>, vector<16xf32>,
    %swap3A_53 = arith.constant 1 : i32
    %swap3A_54 = arith.index_cast %swap3A_53 : i32 to index
    %swap3A_55 = arith.constant 48 : index
    %swap3A_56 = tpu.vector_load %arg7[%swap3A_54, %swap3A_55] {strides = array<i32>} : memref<4x128xf32, #tpu.memory_space<vmem>>, vector<16xf32>,
    tpu.vector_store %arg7[%swap3A_54, %swap3A_55], %broadcast_in_dim3A_9 {strides = array<i32>} : memref<4x128xf32, #tpu.memory_space<vmem>>, vector<16xf32>,
    %swap3A_57 = arith.constant 1 : i32
    %swap3A_58 = arith.index_cast %swap3A_57 : i32 to index
    %swap3A_59 = arith.constant 64 : index
    %swap3A_60 = tpu.vector_load %arg7[%swap3A_58, %swap3A_59] {strides = array<i32>} : memref<4x128xf32, #tpu.memory_space<vmem>>, vector<16xf32>,
    tpu.vector_store %arg7[%swap3A_58, %swap3A_59], %broadcast_in_dim3A_9 {strides = array<i32>} : memref<4x128xf32, #tpu.memory_space<vmem>>, vector<16xf32>,
    %swap3A_61 = arith.constant 1 : i32
    %swap3A_62 = arith.index_cast %swap3A_61 : i32 to index
    %swap3A_63 = arith.constant 80 : index
    %swap3A_64 = tpu.vector_load %arg7[%swap3A_62, %swap3A_63] {strides = array<i32>} : memref<4x128xf32, #tpu.memory_space<vmem>>, vector<16xf32>,
    tpu.vector_store %arg7[%swap3A_62, %swap3A_63], %broadcast_in_dim3A_9 {strides = array<i32>} : memref<4x128xf32, #tpu.memory_space<vmem>>, vector<16xf32>,
    %swap3A_65 = arith.constant 1 : i32
    %swap3A_66 = arith.index_cast %swap3A_65 : i32 to index
    %swap3A_67 = arith.constant 96 : index
    %swap3A_68 = tpu.vector_load %arg7[%swap3A_66, %swap3A_67] {strides = array<i32>} : memref<4x128xf32, #tpu.memory_space<vmem>>, vector<16xf32>,
    tpu.vector_store %arg7[%swap3A_66, %swap3A_67], %broadcast_in_dim3A_9 {strides = array<i32>} : memref<4x128xf32, #tpu.memory_space<vmem>>, vector<16xf32>,
    %swap3A_69 = arith.constant 1 : i32
    %swap3A_70 = arith.index_cast %swap3A_69 : i32 to index
    %swap3A_71 = arith.constant 112 : index
    %swap3A_72 = tpu.vector_load %arg7[%swap3A_70, %swap3A_71] {strides = array<i32>} : memref<4x128xf32, #tpu.memory_space<vmem>>, vector<16xf32>,
    tpu.vector_store %arg7[%swap3A_70, %swap3A_71], %broadcast_in_dim3A_9 {strides = array<i32>} : memref<4x128xf32, #tpu.memory_space<vmem>>, vector<16xf32>,
    %swap3A_73 = arith.constant 2 : i32
    %swap3A_74 = arith.index_cast %swap3A_73 : i32 to index
    %swap3A_75 = arith.constant 0 : index
    %swap3A_76 = tpu.vector_load %arg7[%swap3A_74, %swap3A_75] {strides = array<i32>} : memref<4x128xf32, #tpu.memory_space<vmem>>, vector<16xf32>,
    tpu.vector_store %arg7[%swap3A_74, %swap3A_75], %broadcast_in_dim3A_9 {strides = array<i32>} : memref<4x128xf32, #tpu.memory_space<vmem>>, vector<16xf32>,
    %swap3A_77 = arith.constant 2 : i32
    %swap3A_78 = arith.index_cast %swap3A_77 : i32 to index
    %swap3A_79 = arith.constant 16 : index
    %swap3A_80 = tpu.vector_load %arg7[%swap3A_78, %swap3A_79] {strides = array<i32>} : memref<4x128xf32, #tpu.memory_space<vmem>>, vector<16xf32>,
    tpu.vector_store %arg7[%swap3A_78, %swap3A_79], %broadcast_in_dim3A_9 {strides = array<i32>} : memref<4x128xf32, #tpu.memory_space<vmem>>, vector<16xf32>,
    %swap3A_81 = arith.constant 2 : i32
    %swap3A_82 = arith.index_cast %swap3A_81 : i32 to index
    %swap3A_83 = arith.constant 32 : index
    %swap3A_84 = tpu.vector_load %arg7[%swap3A_82, %swap3A_83] {strides = array<i32>} : memref<4x128xf32, #tpu.memory_space<vmem>>, vector<16xf32>,
    tpu.vector_store %arg7[%swap3A_82, %swap3A_83], %broadcast_in_dim3A_9 {strides = array<i32>} : memref<4x128xf32, #tpu.memory_space<vmem>>, vector<16xf32>,
    %swap3A_85 = arith.constant 2 : i32
    %swap3A_86 = arith.index_cast %swap3A_85 : i32 to index
    %swap3A_87 = arith.constant 48 : index
    %swap3A_88 = tpu.vector_load %arg7[%swap3A_86, %swap3A_87] {strides = array<i32>} : memref<4x128xf32, #tpu.memory_space<vmem>>, vector<16xf32>,
    tpu.vector_store %arg7[%swap3A_86, %swap3A_87], %broadcast_in_dim3A_9 {strides = array<i32>} : memref<4x128xf32, #tpu.memory_space<vmem>>, vector<16xf32>,
    %swap3A_89 = arith.constant 2 : i32
    %swap3A_90 = arith.index_cast %swap3A_89 : i32 to index
    %swap3A_91 = arith.constant 64 : index
    %swap3A_92 = tpu.vector_load %arg7[%swap3A_90, %swap3A_91] {strides = array<i32>} : memref<4x128xf32, #tpu.memory_space<vmem>>, vector<16xf32>,
    tpu.vector_store %arg7[%swap3A_90, %swap3A_91], %broadcast_in_dim3A_9 {strides = array<i32>} : memref<4x128xf32, #tpu.memory_space<vmem>>, vector<16xf32>,
    %swap3A_93 = arith.constant 2 : i32
    %swap3A_94 = arith.index_cast %swap3A_93 : i32 to index
    %swap3A_95 = arith.constant 80 : index
    %swap3A_96 = tpu.vector_load %arg7[%swap3A_94, %swap3A_95] {strides = array<i32>} : memref<4x128xf32, #tpu.memory_space<vmem>>, vector<16xf32>,
    tpu.vector_store %arg7[%swap3A_94, %swap3A_95], %broadcast_in_dim3A_9 {strides = array<i32>} : memref<4x128xf32, #tpu.memory_space<vmem>>, vector<16xf32>,
    %swap3A_97 = arith.constant 2 : i32
    %swap3A_98 = arith.index_cast %swap3A_97 : i32 to index
    %swap3A_99 = arith.constant 96 : index
    %swap3A_100 = tpu.vector_load %arg7[%swap3A_98, %swap3A_99] {strides = array<i32>} : memref<4x128xf32, #tpu.memory_space<vmem>>, vector<16xf32>,
    tpu.vector_store %arg7[%swap3A_98, %swap3A_99], %broadcast_in_dim3A_9 {strides = array<i32>} : memref<4x128xf32, #tpu.memory_space<vmem>>, vector<16xf32>,
    %swap3A_101 = arith.constant 2 : i32
    %swap3A_102 = arith.index_cast %swap3A_101 : i32 to index
    %swap3A_103 = arith.constant 112 : index
    %swap3A_104 = tpu.vector_load %arg7[%swap3A_102, %swap3A_103] {strides = array<i32>} : memref<4x128xf32, #tpu.memory_space<vmem>>, vector<16xf32>,
    tpu.vector_store %arg7[%swap3A_102, %swap3A_103], %broadcast_in_dim3A_9 {strides = array<i32>} : memref<4x128xf32, #tpu.memory_space<vmem>>, vector<16xf32>,
    %swap3A_105 = arith.constant 3 : i32
    %swap3A_106 = arith.index_cast %swap3A_105 : i32 to index
    %swap3A_107 = arith.constant 0 : index
    %swap3A_108 = tpu.vector_load %arg7[%swap3A_106, %swap3A_107] {strides = array<i32>} : memref<4x128xf32, #tpu.memory_space<vmem>>, vector<16xf32>,
    tpu.vector_store %arg7[%swap3A_106, %swap3A_107], %broadcast_in_dim3A_9 {strides = array<i32>} : memref<4x128xf32, #tpu.memory_space<vmem>>, vector<16xf32>,
    %swap3A_109 = arith.constant 3 : i32
    %swap3A_110 = arith.index_cast %swap3A_109 : i32 to index
    %swap3A_111 = arith.constant 16 : index
    %swap3A_112 = tpu.vector_load %arg7[%swap3A_110, %swap3A_111] {strides = array<i32>} : memref<4x128xf32, #tpu.memory_space<vmem>>, vector<16xf32>,
    tpu.vector_store %arg7[%swap3A_110, %swap3A_111], %broadcast_in_dim3A_9 {strides = array<i32>} : memref<4x128xf32, #tpu.memory_space<vmem>>, vector<16xf32>,
    %swap3A_113 = arith.constant 3 : i32
    %swap3A_114 = arith.index_cast %swap3A_113 : i32 to index
    %swap3A_115 = arith.constant 32 : index
    %swap3A_116 = tpu.vector_load %arg7[%swap3A_114, %swap3A_115] {strides = array<i32>} : memref<4x128xf32, #tpu.memory_space<vmem>>, vector<16xf32>,
    tpu.vector_store %arg7[%swap3A_114, %swap3A_115], %broadcast_in_dim3A_9 {strides = array<i32>} : memref<4x128xf32, #tpu.memory_space<vmem>>, vector<16xf32>,
    %swap3A_117 = arith.constant 3 : i32
    %swap3A_118 = arith.index_cast %swap3A_117 : i32 to index
    %swap3A_119 = arith.constant 48 : index
    %swap3A_120 = tpu.vector_load %arg7[%swap3A_118, %swap3A_119] {strides = array<i32>} : memref<4x128xf32, #tpu.memory_space<vmem>>, vector<16xf32>,
    tpu.vector_store %arg7[%swap3A_118, %swap3A_119], %broadcast_in_dim3A_9 {strides = array<i32>} : memref<4x128xf32, #tpu.memory_space<vmem>>, vector<16xf32>,
    %swap3A_121 = arith.constant 3 : i32
    %swap3A_122 = arith.index_cast %swap3A_121 : i32 to index
    %swap3A_123 = arith.constant 64 : index
    %swap3A_124 = tpu.vector_load %arg7[%swap3A_122, %swap3A_123] {strides = array<i32>} : memref<4x128xf32, #tpu.memory_space<vmem>>, vector<16xf32>,
    tpu.vector_store %arg7[%swap3A_122, %swap3A_123], %broadcast_in_dim3A_9 {strides = array<i32>} : memref<4x128xf32, #tpu.memory_space<vmem>>, vector<16xf32>,
    %swap3A_125 = arith.constant 3 : i32
    %swap3A_126 = arith.index_cast %swap3A_125 : i32 to index
    %swap3A_127 = arith.constant 80 : index
    %swap3A_128 = tpu.vector_load %arg7[%swap3A_126, %swap3A_127] {strides = array<i32>} : memref<4x128xf32, #tpu.memory_space<vmem>>, vector<16xf32>,
    tpu.vector_store %arg7[%swap3A_126, %swap3A_127], %broadcast_in_dim3A_9 {strides = array<i32>} : memref<4x128xf32, #tpu.memory_space<vmem>>, vector<16xf32>,
    %swap3A_129 = arith.constant 3 : i32
    %swap3A_130 = arith.index_cast %swap3A_129 : i32 to index
    %swap3A_131 = arith.constant 96 : index
    %swap3A_132 = tpu.vector_load %arg7[%swap3A_130, %swap3A_131] {strides = array<i32>} : memref<4x128xf32, #tpu.memory_space<vmem>>, vector<16xf32>,
    tpu.vector_store %arg7[%swap3A_130, %swap3A_131], %broadcast_in_dim3A_9 {strides = array<i32>} : memref<4x128xf32, #tpu.memory_space<vmem>>, vector<16xf32>,
    %swap3A_133 = arith.constant 3 : i32
    %swap3A_134 = arith.index_cast %swap3A_133 : i32 to index
    %swap3A_135 = arith.constant 112 : index
    %swap3A_136 = tpu.vector_load %arg7[%swap3A_134, %swap3A_135] {strides = array<i32>} : memref<4x128xf32, #tpu.memory_space<vmem>>, vector<16xf32>,
    tpu.vector_store %arg7[%swap3A_134, %swap3A_135], %broadcast_in_dim3A_9 {strides = array<i32>} : memref<4x128xf32, #tpu.memory_space<vmem>>, vector<16xf32>,
    %mul3A_137 = arith.constant 4 : i32
    %mul3A_138 = arith.muli %arg1, %mul3A_137 : i32
    "tpu.region"() ({
      %run_scoped3A = tpu.sem_alloc : memref<!tpu.dma_semaphore, #tpu.memory_space<semaphore_mem>>
      %dma_start3A = arith.constant 0 : i32
      %dma_start3A_142 = tpu.memref_slice %arg8[%mul3A_138, %dma_start3A] : memref<64x128xf32, #tpu.memory_space<vmem_shared>> -> memref<4x128xf32, #tpu.memory_space<vmem_shared>>
      %dma_start3A_143 = arith.constant 0 : i32
      %dma_start3A_144 = tpu.memref_slice %arg8[%mul3A_138, %dma_start3A_143] : memref<64x128xf32, #tpu.memory_space<vmem_shared>> -> memref<4x128xf32, #tpu.memory_space<vmem_shared>>
      tpu.enqueue_dma source(%arg7 : memref<4x128xf32, #tpu.memory_space<vmem>>) target(%dma_start3A_144 : memref<4x128xf32, #tpu.memory_space<vmem_shared>>) target_semaphore(%run_scoped3A : memref<!tpu.dma_semaphore, #tpu.memory_space<semaphore_mem>>)
      %dma_wait3A = arith.constant 0 : i32
      %dma_wait3A_145 = tpu.memref_slice %arg8[%mul3A_138, %dma_wait3A] : memref<64x128xf32, #tpu.memory_space<vmem_shared>> -> memref<4x128xf32, #tpu.memory_space<vmem_shared>>
      %dma_wait3A_146 = arith.constant 0 : i32
      %dma_wait3A_147 = tpu.memref_slice %arg8[%mul3A_138, %dma_wait3A_146] : memref<64x128xf32, #tpu.memory_space<vmem_shared>> -> memref<4x128xf32, #tpu.memory_space<vmem_shared>>
      tpu.wait_dma2 semaphore(%run_scoped3A : memref<!tpu.dma_semaphore, #tpu.memory_space<semaphore_mem>>) src(%arg7 : memref<4x128xf32, #tpu.memory_space<vmem>>) dst(%dma_wait3A_147 : memref<4x128xf32, #tpu.memory_space<vmem_shared>>)
      tpu.yield
    }) : () -> ()
    %barrier3A = arith.constant 0 : index
    tpu.barrier barrier_id(%barrier3A)
    "tpu.region"() ({
      %run_scoped3A = tpu.sem_alloc : memref<!tpu.dma_semaphore, #tpu.memory_space<semaphore_mem>>
      %dma_start3A = arith.constant 0 : i32
      %dma_start3A_142 = arith.constant 0 : i32
      %dma_start3A_143 = tpu.memref_slice %arg8[%dma_start3A, %dma_start3A_142] : memref<64x128xf32, #tpu.memory_space<vmem_shared>> -> memref<64x128xf32, #tpu.memory_space<vmem_shared>>
      tpu.enqueue_indirect_dma source(%arg6 : memref<32x128xf32, #tpu.memory_space<vmem>>) target(%dma_start3A_143 : memref<64x128xf32, #tpu.memory_space<vmem_shared>>) offsets(%arg5 : memref<32xi32, #tpu.memory_space<vmem>>) semaphore(%run_scoped3A : memref<!tpu.dma_semaphore, #tpu.memory_space<semaphore_mem>>) {add = true}
      %dma_wait3A = arith.constant 0 : i32
      %dma_wait3A_144 = arith.constant 0 : i32
      %dma_wait3A_145 = tpu.memref_slice %arg8[%dma_wait3A, %dma_wait3A_144] : memref<64x128xf32, #tpu.memory_space<vmem_shared>> -> memref<64x128xf32, #tpu.memory_space<vmem_shared>>
      tpu.wait_indirect_dma semaphore(%run_scoped3A : memref<!tpu.dma_semaphore, #tpu.memory_space<semaphore_mem>>) src(%arg6 : memref<32x128xf32, #tpu.memory_space<vmem>>) dst(%dma_wait3A_145 : memref<64x128xf32, #tpu.memory_space<vmem_shared>>)
      tpu.yield
    }) : () -> ()
    %barrier3A_139 = arith.constant 0 : index
    tpu.barrier barrier_id(%barrier3A_139)
    %eq3A = arith.constant 0 : i32
    %eq3A_140 = arith.cmpi eq, %arg1, %eq3A : i32
    %convert_element_type3A = arith.extui %eq3A_140 : i1 to i32
    %cond3A = arith.constant 0 : i32
    %cond3A_141 = arith.cmpi ne, %convert_element_type3A, %cond3A : i32
    scf.if %cond3A_141 {
      "tpu.region"() ({
        %run_scoped3A = tpu.sem_alloc : memref<!tpu.dma_semaphore, #tpu.memory_space<semaphore_mem>>
        %dma_start3A = arith.constant 0 : i32
        %dma_start3A_142 = arith.constant 0 : i32
        %dma_start3A_143 = tpu.memref_slice %arg4[%arg0, %dma_start3A, %dma_start3A_142] : memref<2x64x128xf32, #tpu.memory_space<hbm>> -> memref<1x64x128xf32, #tpu.memory_space<hbm>>
        %dma_start3A_144 = tpu.memref_squeeze %dma_start3A_143 : memref<1x64x128xf32, #tpu.memory_space<hbm>> -> memref<64x128xf32, #tpu.memory_space<hbm>>
        tpu.enqueue_dma source(%arg8 : memref<64x128xf32, #tpu.memory_space<vmem_shared>>) target(%dma_start3A_144 : memref<64x128xf32, #tpu.memory_space<hbm>>) target_semaphore(%run_scoped3A : memref<!tpu.dma_semaphore, #tpu.memory_space<semaphore_mem>>)
        %dma_wait3A = arith.constant 0 : i32
        %dma_wait3A_145 = arith.constant 0 : i32
        %dma_wait3A_146 = tpu.memref_slice %arg4[%arg0, %dma_wait3A, %dma_wait3A_145] : memref<2x64x128xf32, #tpu.memory_space<hbm>> -> memref<1x64x128xf32, #tpu.memory_space<hbm>>
        %dma_wait3A_147 = tpu.memref_squeeze %dma_wait3A_146 : memref<1x64x128xf32, #tpu.memory_space<hbm>> -> memref<64x128xf32, #tpu.memory_space<hbm>>
        tpu.wait_dma2 semaphore(%run_scoped3A : memref<!tpu.dma_semaphore, #tpu.memory_space<semaphore_mem>>) src(%arg8 : memref<64x128xf32, #tpu.memory_space<vmem_shared>>) dst(%dma_wait3A_147 : memref<64x128xf32, #tpu.memory_space<hbm>>)
        tpu.yield
      }) : () -> ()
    } else {
    }
    return
  }
}

module attributes {stable_mosaic.version = 14 : i64} {
  func.func @_tc_body(%arg0: i32, %arg1: memref<1x16384xi32, #tpu.memory_space<vmem>>, %arg2: memref<15360x128xf32, #tpu.memory_space<vmem>>, %arg3: memref<64x128xf32, #tpu.memory_space<vmem>>, %arg4: memref<64x1xf32, #tpu.memory_space<vmem>>) attributes {dimension_semantics = [#tpu.dimension_semantics<arbitrary>], iteration_bounds = array<i64: 1>, scalar_prefetch = 0 : i64, scratch_operands = 0 : i64, tpu.core_type = #tpu.core_type<tc>, window_params = [{pipeline_mode = #tpu.pipeline_mode<synchronous>, transform_indices = @transform_0, window_bounds = array<i64: 1, 16384>}, {transform_indices = @transform_1, window_bounds = array<i64: 15360, 128>}, {pipeline_mode = #tpu.pipeline_mode<synchronous>, transform_indices = @transform_2, window_bounds = array<i64: 64, 128>}, {pipeline_mode = #tpu.pipeline_mode<synchronous>, transform_indices = @transform_3, window_bounds = array<i64: 64, 1>}]} {
    %get3A = arith.constant 0 : index
    %get3A_0 = arith.constant 0 : index
    %get3A_1 = vector.load %arg1[%get3A, %get3A_0] : memref<1x16384xi32, #tpu.memory_space<vmem>>, vector<1x16384xi32>
    %iota3A = tpu.iota {dimensions = array<i32: 0>} : vector<64x1xi32>
    %eq3A = vector.broadcast %iota3A : vector<64x1xi32> to vector<64x16384xi32>
    %eq3A_2 = vector.broadcast %get3A_1 : vector<1x16384xi32> to vector<64x16384xi32>
    %eq3A_3 = arith.cmpi eq, %eq3A, %eq3A_2 : vector<64x16384xi32>
    %convert_element_type3A = arith.extui %eq3A_3 : vector<64x16384xi1> to vector<64x16384xi32>
    %convert_element_type3A_4 = arith.sitofp %convert_element_type3A : vector<64x16384xi32> to vector<64x16384xf32>
    %reduce_sum3A = arith.constant dense<0.000000e+00> : vector<64xf32>
    %reduce_sum3A_5 = vector.multi_reduction <add>, %convert_element_type3A_4, %reduce_sum3A [1] : vector<64x16384xf32> to vector<64xf32>
    %broadcast_in_dim3A = vector.shape_cast %reduce_sum3A_5 : vector<64xf32> to vector<64x1xf32>
    %swap3A = arith.constant 0 : index
    %swap3A_6 = arith.constant 0 : index
    %swap3A_7 = vector.load %arg4[%swap3A, %swap3A_6] : memref<64x1xf32, #tpu.memory_space<vmem>>, vector<64x1xf32>
    tpu.vector_store %arg4[%swap3A, %swap3A_6], %broadcast_in_dim3A {strides = array<i32>} : memref<64x1xf32, #tpu.memory_space<vmem>>, vector<64x1xf32>,
    %slice3A = vector.extract_strided_slice %convert_element_type3A_4 {offsets = [0, 0], sizes = [64, 15360], strides = [1, 1]} : vector<64x16384xf32> to vector<64x15360xf32>
    %get3A_8 = arith.constant 0 : index
    %get3A_9 = arith.constant 0 : index
    %get3A_10 = vector.load %arg2[%get3A_8, %get3A_9] : memref<15360x128xf32, #tpu.memory_space<vmem>>, vector<15360x128xf32>
    %dot_general3A = arith.constant dense<0.000000e+00> : vector<64x128xf32>
    %dot_general3A_11 = tpu.matmul %slice3A, %get3A_10, %dot_general3A {dimension_numbers = #tpu.dot_dimension_numbers<[1], [0], [0], [1], [0, 0, 1, 1], [], []>, transpose_lhs_hint = false} : vector<64x15360xf32>, vector<15360x128xf32>, vector<64x128xf32> -> vector<64x128xf32>
    %swap3A_12 = arith.constant 0 : index
    %swap3A_13 = arith.constant 0 : index
    %swap3A_14 = vector.load %arg3[%swap3A_12, %swap3A_13] : memref<64x128xf32, #tpu.memory_space<vmem>>, vector<64x128xf32>
    tpu.vector_store %arg3[%swap3A_12, %swap3A_13], %dot_general3A_11 {strides = array<i32>} : memref<64x128xf32, #tpu.memory_space<vmem>>, vector<64x128xf32>,
    return
  }
  func.func @transform_0(%arg0: i32) -> (i32, i32) {
    %c0_i32 = arith.constant 0 : i32
    %c0_i32_0 = arith.constant 0 : i32
    %c0_i32_1 = arith.constant 0 : i32
    return %c0_i32, %c0_i32_0 : i32, i32
  }
  func.func @transform_1(%arg0: i32) -> (i32, i32) {
    %c0_i32 = arith.constant 0 : i32
    %c0_i32_0 = arith.constant 0 : i32
    %c0_i32_1 = arith.constant 0 : i32
    return %c0_i32, %c0_i32_0 : i32, i32
  }
  func.func @transform_2(%arg0: i32) -> (i32, i32) {
    %c0_i32 = arith.constant 0 : i32
    %c0_i32_0 = arith.constant 0 : i32
    %c0_i32_1 = arith.constant 0 : i32
    return %c0_i32, %c0_i32_0 : i32, i32
  }
  func.func @transform_3(%arg0: i32) -> (i32, i32) {
    %c0_i32 = arith.constant 0 : i32
    %c0_i32_0 = arith.constant 0 : i32
    %c0_i32_1 = arith.constant 0 : i32
    return %c0_i32, %c0_i32_0 : i32, i32
  }
}

module attributes {stable_mosaic.version = 14 : i64} {
  func.func @_ep_body(%arg0: memref<64x128xf32, #tpu.memory_space<vmem>>, %arg1: memref<2x64x128xf32, #tpu.memory_space<vmem>>, %arg2: memref<64x1xf32, #tpu.memory_space<vmem>>, %arg3: memref<64x1xf32, #tpu.memory_space<vmem>>, %arg4: memref<1x1xf32, #tpu.memory_space<smem>>) attributes {dimension_semantics = [], scalar_prefetch = 0 : i64, scratch_operands = 0 : i64, tpu.core_type = #tpu.core_type<tc>} {
    %get3A = arith.constant 0 : index
    %get3A_0 = arith.constant 0 : index
    %get3A_1 = vector.load %arg0[%get3A, %get3A_0] : memref<64x128xf32, #tpu.memory_space<vmem>>, vector<64x128xf32>
    %get3A_2 = arith.constant 0 : index
    %get3A_3 = arith.constant 0 : index
    %get3A_4 = arith.constant 0 : index
    %get3A_5 = vector.load %arg1[%get3A_2, %get3A_3, %get3A_4] : memref<2x64x128xf32, #tpu.memory_space<vmem>>, vector<1x64x128xf32>
    %get3A_6 = vector.shape_cast %get3A_5 : vector<1x64x128xf32> to vector<64x128xf32>
    %add3A = arith.addf %get3A_1, %get3A_6 : vector<64x128xf32>
    %get3A_7 = arith.constant 1 : index
    %get3A_8 = arith.constant 0 : index
    %get3A_9 = arith.constant 0 : index
    %get3A_10 = vector.load %arg1[%get3A_7, %get3A_8, %get3A_9] : memref<2x64x128xf32, #tpu.memory_space<vmem>>, vector<1x64x128xf32>
    %get3A_11 = vector.shape_cast %get3A_10 : vector<1x64x128xf32> to vector<64x128xf32>
    %add3A_12 = arith.addf %add3A, %get3A_11 : vector<64x128xf32>
    %get3A_13 = arith.constant 0 : index
    %get3A_14 = arith.constant 0 : index
    %get3A_15 = vector.load %arg2[%get3A_13, %get3A_14] : memref<64x1xf32, #tpu.memory_space<vmem>>, vector<64x1xf32>
    %div3A = vector.broadcast %get3A_15 : vector<64x1xf32> to vector<64x128xf32>
    %div3A_16 = arith.divf %add3A_12, %div3A : vector<64x128xf32>
    %get3A_17 = arith.constant 0 : index
    %get3A_18 = arith.constant 0 : index
    %get3A_19 = vector.load %arg3[%get3A_17, %get3A_18] : memref<64x1xf32, #tpu.memory_space<vmem>>, vector<64x1xf32>
    %jit3A = arith.constant 1.000000e-07 : f32
    %jit3A_20 = arith.constant 0.99999988 : f32
    %max3A = vector.broadcast %jit3A : f32 to vector<64x1xf32>
    %max3A_21 = arith.maximumf %max3A, %get3A_19 : vector<64x1xf32>
    %min3A = vector.broadcast %jit3A_20 : f32 to vector<64x1xf32>
    %min3A_22 = arith.minimumf %min3A, %max3A_21 : vector<64x1xf32>
    %reduce_max3A = arith.constant dense<0xFF800000> : vector<64xf32>
    %reduce_max3A_23 = vector.multi_reduction <maximumf>, %div3A_16, %reduce_max3A [1] : vector<64x128xf32> to vector<64xf32>
    %broadcast_in_dim3A = vector.shape_cast %reduce_max3A_23 : vector<64xf32> to vector<64x1xf32>
    %sub3A = vector.broadcast %broadcast_in_dim3A : vector<64x1xf32> to vector<64x128xf32>
    %sub3A_24 = arith.subf %div3A_16, %sub3A : vector<64x128xf32>
    %exp3A = math.exp %sub3A_24 : vector<64x128xf32>
    %reduce_sum3A = arith.constant dense<0.000000e+00> : vector<64xf32>
    %reduce_sum3A_25 = vector.multi_reduction <add>, %exp3A, %reduce_sum3A [1] : vector<64x128xf32> to vector<64xf32>
    %broadcast_in_dim3A_26 = vector.shape_cast %reduce_sum3A_25 : vector<64xf32> to vector<64x1xf32>
    %div3A_27 = vector.broadcast %broadcast_in_dim3A_26 : vector<64x1xf32> to vector<64x128xf32>
    %div3A_28 = arith.divf %exp3A, %div3A_27 : vector<64x128xf32>
    %neg3A = arith.constant 0.000000e+00 : f32
    %neg3A_29 = vector.broadcast %neg3A : f32 to vector<64x1xf32>
    %neg3A_30 = arith.subf %neg3A_29, %min3A_22 : vector<64x1xf32>
    %add3A_31 = arith.constant 1.000000e-07 : f32
    %add3A_32 = vector.broadcast %add3A_31 : f32 to vector<64x128xf32>
    %add3A_33 = arith.addf %div3A_28, %add3A_32 : vector<64x128xf32>
    %log3A = math.log %add3A_33 : vector<64x128xf32>
    %mul3A = vector.broadcast %neg3A_30 : vector<64x1xf32> to vector<64x128xf32>
    %mul3A_34 = arith.mulf %mul3A, %log3A : vector<64x128xf32>
    %reduce_sum3A_35 = vector.shape_cast %mul3A_34 : vector<64x128xf32> to vector<1x64x128xf32>
    %reduce_sum3A_36 = arith.constant dense<0.000000e+00> : vector<1xf32>
    %reduce_sum3A_37 = vector.multi_reduction <add>, %reduce_sum3A_35, %reduce_sum3A_36 [1, 2] : vector<1x64x128xf32> to vector<1xf32>
    %reduce_sum3A_38 = vector.shape_cast %reduce_sum3A_37 : vector<1xf32> to vector<1x1x1xf32>
    %reduce_sum3A_39 = vector.extract %reduce_sum3A_38[0, 0, 0] : f32 from vector<1x1x1xf32>
    %swap3A = arith.constant 0 : index
    %swap3A_40 = arith.constant 0 : index
    %swap3A_41 = memref.load %arg4[%swap3A, %swap3A_40] : memref<1x1xf32, #tpu.memory_space<smem>>
    memref.store %reduce_sum3A_39, %arg4[%swap3A, %swap3A_40] : memref<1x1xf32, #tpu.memory_space<smem>>
    return
  }
}

</mosaic_0001>

<sc_bundles>
// kernel: kernel.5.cloned.1.call-start
scs
__scs_entry_jumppad:
0x0: {  	(pc) =	sbr.rel $0x88, $3  }
0x1: {  	(tag) =	ssettag $0x0;
	lr =	simm.s32 $0x1  }
0x2: {  	[smem:$0x3F9E] =	sst lr;
	_ =	strace $0xD0000000  }
0x3: {  	_ = 	snop  }
0x4: {  	_ = 	snop  }
0x5: {  	_ = 	snop  }
0x6: {  	_ = 	snop  }
0x7: {  	_ = 	snop  }
__scs_overlays_trampoline_lowered:
0x8: {  	[smem:$0x3FAD] =	sst s0  }
0x9: {  	[smem:$0x3FAE] =	sst s1  }
0xa: {  	[smem:$0x3FAF] =	sst s2  }
0xb: {  	[smem:$0x3FB0] =	sst s3  }
0xc: {  	[smem:$0x3FB1] =	sst s4  }
0xd: {  	[smem:$0x3FB2] =	sst s5  }
0xe: {  	[smem:$0x3FB3] =	sst s6  }
0xf: {  	[smem:$0x3FB4] =	sst s7  }
0x10: {  	[smem:$0x3FB5] =	sst s8  }
0x11: {  	[smem:$0x3FB6] =	sst s9;
	s0 =	simm.s32 @!p0 $0x0  }
0x12: {  	s1 =	sld [smem:$0x3F9C];
	s0 =	simm.s32 @p0 $0x1  }
0x13: {  	[smem:$0x3FB7] =	sst s0;
	s0 =	simm.s32 @!p1 $0x0  }
0x14: {  	s2 =	sld [smem:$0x3F9B];
	s0 =	simm.s32 @p1 $0x1  }
0x15: {  	[smem:$0x3FB8] =	sst s0;
	s0 =	simm.s32 @!p2 $0x0  }
0x16: {  	s3 =	sld [smem:$0x3FDB];
	s0 =	simm.s32 @p2 $0x1  }
0x17: {  	s4 =	simm.s32 $0x1BF5;
	[smem:$0x3FBA] =	sst s0  }
0x18: {  	s0 =	sld [smem:$0x3F9D];
	_ =	swait.ge [sflag:s4], $0x0  }
0x19: {  	s7 =	sld [smem:$0x3F9E]  }
0x1a: {  	s8 =	sadd.s32 $0xFFFFE003, lr  }
0x1b: {  	s9 =	sadd.s32 $0xFFFFFEF7, lr;
	s5 =	simm.s32 $0xFFFFFFFF;
	p2 =	slt.u32 s8, $0xFFFFF086  }
0x1c: {  	p1 =	slt.u32 s9, $0xF7A;
	s5 =	simm.s32 @!p2 $0x0  }
0x1d: {  	s5 =	simm.s32 @p1 $0x1;
	p0 =	seq.s32 s7, s2  }
0x1e: {  	s7 =	smul.u32 @!p0 $0xF7A, s2;
	p2 =	seq.s32 @!p0 s5, $0x0  }
0x1f: {  	s9 =	smul.u32 $0xF7A, s1;
	s8 =	simm.s32 @!p0 $0x1BF5;
	p2 =	por !p2, p0  }
0x20: {  	[sflag:s8] =	ssyncset.s32 @!p0 $0xFFFFF086;
	s6 =	sadd.s32 @!p0 s3, s7;
	s7 =	simm.s32 @!p0 $0x108  }
0x21: {  	s3 =	sadd.s32 s3, s9;
	s6 =	sadd.s32 @!p0 $0x88, s6;
	s7 =	simm.s32 @p2 $0x1082  }
0x22: {  	[simem:s7], [sflag:s8] =	dma.local @!p0 [hbm:s6], $0xF7A  }
0x23: {  	s9 =	sor.u32 $0xD0000000, s2;
	s6 =	simm.s32 $0x108;
	_ =	swait.ge @!p0 [sflag:s8], $0x0  }
0x24: {  	s3 =	sadd.s32 $0x88, s3;
	s6 =	simm.s32 @!p1 $0x1082;
	[sflag:s4] =	ssyncset.s32 $0xFFFFF086  }
0x25: {  	[simem:s6], [sflag:s4] =	dma.local [hbm:s3], $0xF7A  }
0x26: {  	[smem:$0x3F9E] =	sst s1;
	(tag) =	ssettag s2;
	_ =	strace s9  }
0x27: {  	s1 =	sld [smem:$0x3FAE]  }
0x28: {  	s2 =	sld [smem:$0x3FAF]  }
0x29: {  	s4 =	sld [smem:$0x3FB1]  }
0x2a: {  	p0 =	seq.s32 s5, $0x0;
	s5 =	sld [smem:$0x3FB2]  }
0x2b: {  	s6 =	sld [smem:$0x3FB3]  }
0x2c: {  	s7 =	sld [smem:$0x3FB4]  }
0x2d: {  	s3 =	simm.s32 $0x108;
	s8 =	sld [smem:$0x3FB5]  }
0x2e: {  	s3 =	simm.s32 @!p0 $0x1082;
	s9 =	sld [smem:$0x3FB6]  }
0x2f: {  	lr =	sadd.s32 s0, s3;
	s0 =	sld [smem:$0x3FAD]  }
0x30: {  	s3 =	sld [smem:$0x3FB0]  }
0x31: {  	[smem:$0x3FB9] =	sst s10  }
0x32: {  	s10 =	sld [smem:$0x3FB7];
	_ =	sdelay $0x3  }
0x33: {  	p0 =	seq.s32 s10, $0x1;
	s10 =	sld [smem:$0x3FB9];
	_ =	sdelay $0x3  }
0x34: {  	[smem:$0x3FB9] =	sst s10  }
0x35: {  	s10 =	sld [smem:$0x3FB8];
	_ =	sdelay $0x3  }
0x36: {  	p1 =	seq.s32 s10, $0x1;
	s10 =	sld [smem:$0x3FB9];
	_ =	sdelay $0x3  }
0x37: {  	[smem:$0x3FB9] =	sst s10  }
0x38: {  	s10 =	sld [smem:$0x3FBA]  }
0x39: {  	_ = 	snop;
	(pc) =	sbr.ind lr, $3  }
0x3a: {  	_ = 	snop  }
0x3b: {  	_ = 	snop  }
0x3c: {  	p2 =	seq.s32 s10, $0x1;
	s10 =	sld [smem:$0x3FB9]  }
0x3d: {  	_ =	shalt  }
0x3e: {  	_ =	shalt  }
0x3f: {  	_ =	shalt  }
0x40: {  	_ =	shalt  }
0x41: {  	_ =	shalt  }
0x42: {  	_ =	shalt  }
0x43: {  	_ =	shalt  }
0x44: {  	_ =	shalt  }
0x45: {  	_ =	shalt  }
0x46: {  	_ =	shalt  }
0x47: {  	_ =	shalt  }
0x48: {  	_ =	shalt  }
0x49: {  	_ =	shalt  }
0x4a: {  	_ =	shalt  }
0x4b: {  	_ =	shalt  }
0x4c: {  	_ =	shalt  }
0x4d: {  	_ =	shalt  }
0x4e: {  	_ =	shalt  }
0x4f: {  	_ =	shalt  }
0x50: {  	_ =	shalt  }
0x51: {  	_ =	shalt  }
0x52: {  	_ =	shalt  }
0x53: {  	_ =	shalt  }
0x54: {  	_ =	shalt  }
0x55: {  	_ =	shalt  }
0x56: {  	_ =	shalt  }
0x57: {  	_ =	shalt  }
0x58: {  	_ =	shalt  }
0x59: {  	_ =	shalt  }
0x5a: {  	_ =	shalt  }
0x5b: {  	_ =	shalt  }
0x5c: {  	_ =	shalt  }
0x5d: {  	_ =	shalt  }
0x5e: {  	_ =	shalt  }
0x5f: {  	_ =	shalt  }
0x60: {  	_ =	shalt  }
0x61: {  	_ =	shalt  }
0x62: {  	_ =	shalt  }
0x63: {  	_ =	shalt  }
0x64: {  	_ =	shalt  }
0x65: {  	_ =	shalt  }
0x66: {  	_ =	shalt  }
0x67: {  	_ =	shalt  }
0x68: {  	_ =	shalt  }
0x69: {  	_ =	shalt  }
0x6a: {  	_ =	shalt  }
0x6b: {  	_ =	shalt  }
0x6c: {  	_ =	shalt  }
0x6d: {  	_ =	shalt  }
0x6e: {  	_ =	shalt  }
0x6f: {  	_ =	shalt  }
0x70: {  	_ =	shalt  }
0x71: {  	_ =	shalt  }
0x72: {  	_ =	shalt  }
0x73: {  	_ =	shalt  }
0x74: {  	_ =	shalt  }
0x75: {  	_ =	shalt  }
0x76: {  	_ =	shalt  }
0x77: {  	_ =	shalt  }
0x78: {  	_ =	shalt  }
0x79: {  	_ =	shalt  }
0x7a: {  	_ =	shalt  }
0x7b: {  	_ =	shalt  }
0x7c: {  	_ =	shalt  }
0x7d: {  	_ =	shalt  }
0x7e: {  	_ =	shalt  }
0x7f: {  	_ =	shalt  }
0x80: {  	_ =	shalt  }
0x81: {  	_ =	shalt  }
0x82: {  	_ =	shalt  }
0x83: {  	_ =	shalt  }
0x84: {  	_ =	shalt  }
0x85: {  	_ =	shalt  }
0x86: {  	_ =	shalt  }
0x87: {  	_ =	shalt  }
.Lfunc_end0:
.L_simem_size_0:
called_computation_lowered:
.L_overlay_start_0:
0x88: {  	s2 =	sld [smem:$0x3FD9]  }
0x89: {  	s3 =	sld [smem:$0x3FFE];
	_ =	sdelay $0x1  }
0x8a: {  	s1 =	srdreg.scid  }
0x8b: {  	s0 =	sand.u32 $0x1, s1  }
0x8c: {  	s17 =	sshll.u32 s0, $0xA;
	s2 =	sadd.s32 s3, s2  }
0x8d: {  	s2 =	sadd.s32 s2, s17  }
0x8e: {  	[smem:$0x3FC5] =	sst s2  }
0x8f: {  	_ = 	snop  }
0x90: {  	s2 =	sld [smem:$0x3FC9]  }
0x91: {  	s18 =	sld [smem:$0x3FC8];
	(tm) =	ssettm $0x1  }
0x92: {  	s4 =	sld [smem:$0x3FFB];
	_ =	sdelay $0x3  }
0x93: {  	_ =	strace s4  }
0x94: {  	s4 =	sld [smem:$0x3FFC];
	_ =	sdelay $0x3  }
0x95: {  	_ =	strace s4  }
0x96: {  	s4 =	sld [smem:$0x3FFD];
	_ =	sdelay $0x3  }
0x97: {  	_ =	strace s4  }
0x98: {  	_ =	strace $0x8FFFFFFF  }
0x99: {  	s19 =	sld [smem:$0x3FDB];
	_ =	sdelay $0x1  }
0x9a: {  	s5 =	simm.s32 $_scs_section_size  }
0x9b: {  	s6 =	simm.s32 $_size__tile_overlayer_lowered;
	s7 =	simm.s32 $_tile_overlayer_lowered  }
0x9c: {  	s22 =	simm.s32 $0x1BFF;
	s21 =	sshll.u32 s7, $0x1;
	s4 =	sadd.s32 s5, s19  }
0x9d: {  	s8 =	simm.s32 $0x0;
	s20 =	sshll.u32 s6, $0x1;
	s6 =	sadd.s32 s21, s4  }
0x9e: {  	[timem:s8], [sflag:s22] =	dma.local [hbm:s6], s20  }
0x9f: {  	_ =	swait.ge [sflag:s22], s20  }
0xa0: {  	s5 =	ssub.s32 $0x0, s20;
	[sflag:s22] =	ssyncset.done $0x0  }
0xa1: {  	[sflag:s22] =	ssyncadd.s32 s5;
	_ =	sdelay $0x1  }
0xa2: {  	s23 =	simm.s32 $0x1B8B  }
0xa3: {  	_ =	swait.ge [sflag:s23], $0x1  }
0xa4: {  	[sflag:s23] =	ssyncset.done $0x0  }
0xa5: {  	s25 =	simm.s32 $0x1B8E;
	s24 =	sld [smem:$0x3FFE];
	[sflag:s23] =	ssyncadd.s32 $0xFFFFFFFF  }
0xa6: {  	s26 =	simm.s32 $execute0_lowered;
	[smem:$0x3FD2] =	sst s25  }
0xa7: {  	s6 =	sshll.u32 s26, $0x1;
	_ =	strace $0x80000046;
	[dreg:$0x1] =	wrdreg $0xFFFFFFFF  }
0xa8: {  	s28 =	simm.s32 $_size_execute0_lowered;
	s4 =	sadd.s32 s4, s6;
	[dreg:$0x0] =	wrdreg $0x0  }
0xa9: {  	s6 =	sshll.u32 s28, $0x1;
	[dreg:$0x2] =	wrdreg s4  }
0xaa: {  	[dreg:$0x3] =	wrdreg s6  }
0xab: {  	[dreg:$0x4] =	wrdreg $0xC0  }
0xac: {  	_ =	task [dreg:s8], $0x5FFFF  }
0xad: {  	[dreg:$0x1] =	wrdreg $0xFFFFFFFF  }
0xae: {  	[dreg:$0x0] =	wrdreg $0x60  }
0xaf: {  	[dreg:$0x2] =	wrdreg s2  }
0xb0: {  	[dreg:$0x3] =	wrdreg s18  }
0xb1: {  	[dreg:$0x4] =	wrdreg s24  }
0xb2: {  	[dreg:$0x5] =	wrdreg $0x12800  }
0xb3: {  	[dreg:$0x6] =	wrdreg $0x9  }
0xb4: {  	_ =	task.clear_ibuf [dreg:s8], $0x7FFFF;
	_ =	strace $0x90000046  }
0xb5: {  	s29 =	simm.s32 $0x9;
	_ =	strace $0x80000048  }
0xb6: {  	_ =	swait.ge [sflag:s29], $0x1  }
0xb7: {  	[sflag:s29] =	ssyncadd.s32 $0xFFFFFFFF  }
0xb8: {  	_ =	strace $0x90000048  }
0xb9: {  	_ =	sfence  }
0xba: {  	s30 =	sld [smem:$0x0];
	_ =	sdelay $0x2  }
0xbb: {  	s31 =	sshll.u32 s1, $0xD;
	s1 =	sshrl.u32 s1, $0x2  }
0xbc: {  	s3 =	sand.u32 $0x4000, s31;
	s1 =	sadd.s32 s1, s30  }
0xbd: {  	s0 =	sor.u32 s3, s0;
	s1 =	sshll.u32 s1, $0x11  }
0xbe: {  	s0 =	sor.u32 s1, s0  }
0xbf: {  	s0 =	sadd.s32 $0x8F2B, s0  }
0xc0: {  	[sflag:s0] =	ssyncadd.remote.s32 $0x1  }
0xc1: {  	_ =	sfence.sel $0xFFFF  }
0xc2: {  	[dreg:$0x0] =	wrdreg $0xFFFFFFFF;
	(pc) =	sbr.abs _section_cstart, $3  }
0xc3: {  	[dreg:$0x1] =	wrdreg $0xFFFFFFFF  }
0xc4: {  	_ =	task.clear_ibuf [dreg:s8], $0x2FFFF;
	_ =	strace $0x9FFFFFFF  }
0xc5: {  	(tm) =	ssettm $0x7FFFFFFF  }
tec
execute0_lowered:
.L_overlay_start_1:
0x0: {  	(tag) =	ssettag $0x1  }
0x1: {  	s3 =	rddreg [dreg:$0x0];
	s0 =	srdreg.scid  }
0x2: {  	s4 =	rddreg [dreg:$0x1];
	s8 =	stileid.u32;
	s6 =	sand.u32 $0x1, s0  }
0x3: {  	s9 =	rddreg [dreg:$0x2];
	s30 =	sshll.u32 s8, $0x6;
	s2 =	sshll.u32 s6, $0x5  }
0x4: {  	s1 =	rddreg [dreg:$0x3];
	s5 =	sor.u32 s2, s30  }
0x5: {  	s0 =	rddreg [dreg:$0x4];
	s2 =	simm.s32 $0x0;
	s7 =	sor.u32 $0x3C00, s5  }
0x6: {  	[smem:$0x7FF] =	sst s2;
	s5 =	sshrl.u32 s7, $0x3  }
0x7: {  	_ =	strace $0x80000047;
	s5 =	sadd.s32 s3, s5;
	s3 =	simm.s32 $0x1  }
0x8: {  	[tilespmem:s2], [sflag:$0x1] =	stream.linear.gather [hbm4b:s5+s2], $0x20, $0x38;
	[tilespmem:$0x1480] =	vst v63  }
0x9: {  	_ =	swait.ge [sflag:s3], $0x20  }
0xa: {  	s7 =	sshll.u32 s7, $0x4;
	[sflag:s3] =	ssyncset.done $0x0  }
0xb: {  	s7 =	sadd.s32 s4, s7;
	s4 =	simm.s32 $0x80;
	[sflag:s3] =	ssyncadd.s32 $0xFFFFFFE0  }
0xc: {  	[tilespmem:s4], [sflag:$0x1] =	stream.linear.gather [hbm4b:s7+s2], $0x1000, $0x38;
	[tilespmem:$0x1480] =	vst v63  }
0xd: {  	_ =	swait.ge [sflag:s3], $0x1000  }
0xe: {  	[sflag:s3] =	ssyncset.done $0x0  }
0xf: {  	v0 =	vimm.f32 $0.0e+00;
	[sflag:s3] =	ssyncadd.s32 $0xFFFFF000  }
0x10: {  	[tilespmem:$0x1270] =	vst v0  }
0x11: {  	[tilespmem:$0x1260] =	vst v0  }
0x12: {  	[tilespmem:$0x1250] =	vst v0  }
0x13: {  	s10 =	ssub.s32 $0x2, s6;
	[tilespmem:$0x1240] =	vst v0  }
0x14: {  	s11 =	sshrl.u32 s10, $0x1;
	[tilespmem:$0x1230] =	vst v0  }
0x15: {  	s10 =	ssub.s32 s10, s11;
	[tilespmem:$0x1220] =	vst v0  }
0x16: {  	s10 =	smax.u32 s10, $0x1;
	[tilespmem:$0x1210] =	vst v0  }
0x17: {  	s12 =	sadd.s32 $0xFFFFFFFF, s10;
	[tilespmem:$0x1200] =	vst v0  }
0x18: {  	p1 =	sne.s32 s12, $0x0;
	[tilespmem:$0x11F0] =	vst v0  }
.Ltmp0:
0x19: {  	[tilespmem:$0x11E0] =	vst v0;
	(pc) =	sbr.rel @!p1 .LBB2_2-.Ltmp0, $4  }
0x1a: {  	[tilespmem:$0x11D0] =	vst v0  }
0x1b: {  	s31 =	sshll.u32 s8, $0x9;
	p0 =	sne.s32 s8, $0x0;
	s6 =	sshll.u32 s6, $0xA;
	[tilespmem:$0x11C0] =	vst v0  }
0x1c: {  	s8 =	sshrl.u32 @!p0 s1, $0x3;
	s6 =	sadd.s32 s6, s9;
	s9 =	sadd.s32 s31, s1;
	[tilespmem:$0x11B0] =	vst v0  }
0x1d: {  	s6 =	sadd.s32 $0xE00, s6;
	s11 =	simm.s32 $0x1080;
	s10 =	simm.s32 $0x20;
	[tilespmem:$0x11A0] =	vst v0  }
.LBB2_1:
0x1e: {  	s12 =	sadd.s32 $0xFFFFFFFF, s12;
	[tilespmem:$0x1190] =	vst v0  }
0x1f: {  	p1 =	sne.s32 s12, $0x0;
	[tilespmem:$0x1180] =	vst v0  }
0x20: {  	[tilespmem:$0x1170] =	vst v0  }
0x21: {  	[tilespmem:$0x1160] =	vst v0  }
0x22: {  	[tilespmem:$0x1150] =	vst v0  }
0x23: {  	[tilespmem:$0x1140] =	vst v0  }
0x24: {  	[tilespmem:$0x1130] =	vst v0  }
0x25: {  	[tilespmem:$0x1120] =	vst v0  }
0x26: {  	[tilespmem:$0x1110] =	vst v0  }
0x27: {  	[tilespmem:$0x1100] =	vst v0  }
0x28: {  	[tilespmem:$0x10F0] =	vst v0  }
0x29: {  	[tilespmem:$0x10E0] =	vst v0  }
0x2a: {  	[tilespmem:$0x10D0] =	vst v0  }
0x2b: {  	[tilespmem:$0x10C0] =	vst v0  }
0x2c: {  	[tilespmem:$0x10B0] =	vst v0  }
0x2d: {  	[tilespmem:$0x10A0] =	vst v0  }
0x2e: {  	[tilespmem:$0x1080] =	vst v0  }
0x2f: {  	[tilespmem:$0x1090] =	vst v0  }
0x30: {  	[spmem:s9] =	stream.linear.scatter [tilespmem:s11], [sflag:$0x1], $0x200, $0x38;
	[tilespmem:$0x1480] =	vst v63  }
0x31: {  	_ =	swait.ge [sflag:s3], $0x200  }
0x32: {  	[sflag:s3] =	ssyncset.done $0x0  }
0x33: {  	[sflag:s3] =	ssyncadd.s32 $0xFFFFFE00  }
0x34: {  	[bflag:$0x0] =	sbarrier.arrive $0xFFFF  }
0x35: {  	[spmem:s1] =	stream.indirect.scatter.add.f32 [tilespmem:s4], [sflag:$0x1], $0x80, s2, s10, $0xb8;
	[tilespmem:$0x1480] =	vst v63  }
0x36: {  	_ =	swait.ge [sflag:s3], $0x1000  }
0x37: {  	[sflag:s3] =	ssyncset.done $0x0  }
0x38: {  	s13 =	simm.s32 @!p0 $0x1C01;
	[sflag:s3] =	ssyncadd.s32 $0xFFFFF000  }
0x39: {  	s14 =	simm.s32 @!p0 $0x1;
	[bflag:$0x0] =	sbarrier.arrive $0xFFFF  }
0x3a: {  	[hbm:s6], [sflag:s13] =	dma.local @!p0 [spmem:s8], $0x400  }
0x3b: {  	_ =	swait.ge @!p0 [sflag:s14], $0x400  }
0x3c: {  	[sflag:s14] =	ssyncset.done @!p0 $0x0  }
0x3d: {  	[sflag:s14] =	ssyncadd.s32 @!p0 $0xFFFFFC00  }
0x3e: {  	[tilespmem:s2], [sflag:$0x1] =	stream.linear.gather [hbm4b:s5+s2], $0x20, $0x38;
	[tilespmem:$0x1480] =	vst v63  }
0x3f: {  	_ =	swait.ge [sflag:s3], $0x20  }
0x40: {  	[sflag:s3] =	ssyncset.done $0x0  }
0x41: {  	[sflag:s3] =	ssyncadd.s32 $0xFFFFFFE0  }
0x42: {  	[tilespmem:s4], [sflag:$0x1] =	stream.linear.gather [hbm4b:s7+s2], $0x1000, $0x38;
	[tilespmem:$0x1480] =	vst v63  }
0x43: {  	_ =	swait.ge [sflag:s3], $0x1000  }
0x44: {  	[sflag:s3] =	ssyncset.done $0x0  }
0x45: {  	[sflag:s3] =	ssyncadd.s32 $0xFFFFF000  }
0x46: {  	[tilespmem:$0x1270] =	vst v0  }
0x47: {  	[tilespmem:$0x1260] =	vst v0  }
0x48: {  	[tilespmem:$0x1250] =	vst v0  }
0x49: {  	[tilespmem:$0x1240] =	vst v0  }
0x4a: {  	[tilespmem:$0x1230] =	vst v0  }
0x4b: {  	[tilespmem:$0x1220] =	vst v0  }
0x4c: {  	[tilespmem:$0x1210] =	vst v0  }
0x4d: {  	[tilespmem:$0x1200] =	vst v0  }
0x4e: {  	[tilespmem:$0x11F0] =	vst v0  }
.Ltmp1:
0x4f: {  	[tilespmem:$0x11E0] =	vst v0;
	(pc) =	sbr.rel @p1 .LBB2_1-.Ltmp1, $4  }
0x50: {  	[tilespmem:$0x11D0] =	vst v0  }
0x51: {  	[tilespmem:$0x11C0] =	vst v0  }
0x52: {  	[tilespmem:$0x11B0] =	vst v0  }
0x53: {  	[tilespmem:$0x11A0] =	vst v0  }
.LBB2_2:
0x54: {  	[tilespmem:$0x1190] =	vst v0  }
0x55: {  	[tilespmem:$0x1180] =	vst v0  }
0x56: {  	[tilespmem:$0x1170] =	vst v0  }
0x57: {  	[tilespmem:$0x1160] =	vst v0  }
0x58: {  	[tilespmem:$0x1150] =	vst v0  }
0x59: {  	[tilespmem:$0x1140] =	vst v0  }
0x5a: {  	[tilespmem:$0x1130] =	vst v0  }
0x5b: {  	[tilespmem:$0x1120] =	vst v0  }
0x5c: {  	[tilespmem:$0x1110] =	vst v0  }
0x5d: {  	[tilespmem:$0x1100] =	vst v0  }
0x5e: {  	[tilespmem:$0x10F0] =	vst v0  }
0x5f: {  	[tilespmem:$0x10E0] =	vst v0  }
0x60: {  	[tilespmem:$0x10D0] =	vst v0  }
0x61: {  	[tilespmem:$0x10C0] =	vst v0  }
0x62: {  	[tilespmem:$0x10B0] =	vst v0  }
0x63: {  	[tilespmem:$0x10A0] =	vst v0  }
0x64: {  	[tilespmem:$0x1080] =	vst v0  }
0x65: {  	[tilespmem:$0x1090] =	vst v0  }
0x66: {  	[spmem:s9] =	stream.linear.scatter [tilespmem:s11], [sflag:$0x1], $0x200, $0x38;
	[tilespmem:$0x1480] =	vst v63  }
0x67: {  	_ =	swait.ge [sflag:s3], $0x200  }
0x68: {  	[sflag:s3] =	ssyncset.done $0x0  }
0x69: {  	[sflag:s3] =	ssyncadd.s32 $0xFFFFFE00  }
0x6a: {  	[bflag:$0x0] =	sbarrier.arrive $0xFFFF  }
0x6b: {  	[spmem:s1] =	stream.indirect.scatter.add.f32 [tilespmem:s4], [sflag:$0x1], $0x80, s2, s10, $0xb8;
	[tilespmem:$0x1480] =	vst v63  }
0x6c: {  	_ =	swait.ge [sflag:s3], $0x1000  }
0x6d: {  	[sflag:s3] =	ssyncset.done $0x0  }
0x6e: {  	[sflag:s3] =	ssyncadd.s32 $0xFFFFF000  }
0x6f: {  	s1 =	simm.s32 @!p0 $0x1C01;
	s2 =	simm.s32 @!p0 $0x1;
	[bflag:$0x0] =	sbarrier.arrive $0xFFFF  }
0x70: {  	[hbm:s6], [sflag:s1] =	dma.local @!p0 [spmem:s8], $0x400  }
0x71: {  	_ =	swait.ge @!p0 [sflag:s2], $0x400  }
0x72: {  	[sflag:s2] =	ssyncset.done @!p0 $0x0  }
0x73: {  	[sflag:s2] =	ssyncadd.s32 @!p0 $0xFFFFFC00  }
0x74: {  	_ =	sfence.sel $0x180000  }
0x75: {  	[bflag:$0x0] =	sbarrier.arrive $0xFFFF  }
0x76: {  	_ =	strace $0x90000047  }
0x77: {  	s0 =	sadd.s32 @!p0 $0x100000, s0;
	[bflag:$0x2] =	sbarrier.arrive $0xFFFF  }
0x78: {  	[sflag:s0] =	ssyncadd.tile.s32 @!p0 $0x1;
	_ =	shalt  }
.Lfunc_end2:
_tile_overlayer_lowered:
.L_overlay_start_2:
0x79: {  	(tag) =	ssettag $0x2  }
0x7a: {  	s0 =	rddreg [dreg:$0x0];
	s2 =	stileid.u32  }
0x7b: {  	s1 =	rddreg [dreg:$0x1];
	p0 =	sne.s32 s2, $0x0  }
0x7c: {  	s3 =	rddreg [dreg:$0x2];
	[bflag:$0x3] =	sbarrier.arrive $0xFFFF;
	s2 =	simm.s32 @!p0 $0x1C01  }
0x7d: {  	[timem:s3], [sflag:s2] =	dma.local @!p0 [hbm:s0], s1  }
0x7e: {  	s0 =	simm.s32 @!p0 $0x1  }
0x7f: {  	_ =	swait.ge @!p0 [sflag:s0], s1  }
0x80: {  	s1 =	ssub.s32 @!p0 $0x0, s1;
	[sflag:s0] =	ssyncset.done @!p0 $0x0  }
0x81: {  	[sflag:s0] =	ssyncadd.s32 @!p0 s1  }
0x82: {  	[bflag:$0x3] =	sbarrier.arrive $0xFFFF  }
0x83: {  	_ =	shalt  }

</sc_bundles>
